<compile_context>
chip_gen: v7x
topology: tpu7x:2x2x1
jax: 0.10.2.dev20260603
libtpu: 0.0.44.dev20260713+nightly
codegen_flags: <defaults>
</compile_context>

<pallas_src>
import dataclasses
import functools

import jax
import jax.numpy as jnp
from jax import lax
from jax.experimental import pallas as pl
from jax.experimental.pallas import tpu as pltpu
from jax.experimental.pallas import tpu_sc as plsc

T = 128
D = 1024
F = 4096
E = 8
FB = 1024

_NC = 2
_NL = 16
_NCHUNK = T // _NL


def _logits_kernel(x_ref, wg_ref, out_ref):
    out_ref[...] = jnp.dot(x_ref[...], wg_ref[...],
                           preferred_element_type=jnp.float32)


def _sc_router(lt_hbm, gates_hbm, lslab, gslab):
    wid = lax.axis_index("s") * _NC + lax.axis_index("c")

    @pl.when(wid < _NCHUNK)
    def _():
        base = wid * (_NL * E)
        pltpu.sync_copy(lt_hbm.at[pl.ds(base, _NL * E)], lslab)
        iota = lax.iota(jnp.int32, _NL)
        ls = [plsc.load_gather(lslab, [iota * E + e]) for e in range(E)]
        m1 = ls[0]
        for e in range(1, E):
            m1 = jnp.maximum(m1, ls[e])
        found = m1 < m1
        is1 = []
        for e in range(E):
            hit = jnp.logical_and(ls[e] == m1, jnp.logical_not(found))
            is1.append(hit)
            found = jnp.logical_or(found, hit)
        l2 = [jnp.where(is1[e], -1e30, ls[e]) for e in range(E)]
        m2 = l2[0]
        for e in range(1, E):
            m2 = jnp.maximum(m2, l2[e])
        found2 = m2 < m2
        is2 = []
        for e in range(E):
            hit = jnp.logical_and(l2[e] == m2, jnp.logical_not(found2))
            is2.append(hit)
            found2 = jnp.logical_or(found2, hit)
        g1 = 1.0 / (1.0 + jnp.exp(m2 - m1))
        g2 = 1.0 - g1
        for e in range(E):
            val = jnp.where(is1[e], g1, jnp.where(is2[e], g2, 0.0))
            plsc.store_scatter(gslab, [iota * E + e], val)
        pltpu.sync_copy(gslab, gates_hbm.at[pl.ds(base, _NL * E)])


def _moe_kernel(x_ref, gates_ref, w1_ref, w3_ref, w2_ref, out_ref):
    e = pl.program_id(0)
    f = pl.program_id(1)

    @pl.when(jnp.logical_and(e == 0, f == 0))
    def _init():
        out_ref[...] = jnp.zeros_like(out_ref)

    x = x_ref[...].astype(jnp.bfloat16)
    h1 = jnp.dot(x, w1_ref[0].astype(jnp.bfloat16),
                 preferred_element_type=jnp.float32)
    h3 = jnp.dot(x, w3_ref[0].astype(jnp.bfloat16),
                 preferred_element_type=jnp.float32)
    h = (h1 * jax.lax.logistic(h1)) * h3
    iota = jax.lax.broadcasted_iota(jnp.int32, (T, E), 1)
    g = jnp.sum(jnp.where(iota == e, gates_ref[...], 0.0), axis=1,
                keepdims=True)
    out_ref[...] += jnp.dot((h * g).astype(jnp.bfloat16),
                            w2_ref[0].astype(jnp.bfloat16),
                            preferred_element_type=jnp.float32)


def kernel(hidden_states, Wg, W1, W3, W2):
    x = hidden_states.reshape(-1, hidden_states.shape[-1])

    logits = pl.pallas_call(
        _logits_kernel,
        out_shape=jax.ShapeDtypeStruct((T, E), jnp.float32),
    )(x, Wg)

    mesh = plsc.VectorSubcoreMesh(core_axis_name="c", subcore_axis_name="s")
    cp = pltpu.CompilerParams()
    if "needs_layout_passes" in pltpu.CompilerParams.__dataclass_fields__:
        cp = dataclasses.replace(cp, needs_layout_passes=False)
    router = functools.partial(
        pl.kernel, mesh=mesh,
        out_type=jax.ShapeDtypeStruct((T * E,), jnp.float32),
        scratch_types=[pltpu.VMEM((_NL * E,), jnp.float32),
                       pltpu.VMEM((_NL * E,), jnp.float32)],
        compiler_params=cp,
    )(_sc_router)
    gates = router(logits.reshape(T * E)).reshape(T, E)

    nf = F // FB
    return pl.pallas_call(
        _moe_kernel,
        grid=(E, nf),
        in_specs=[
            pl.BlockSpec((T, D), lambda e, f: (0, 0)),
            pl.BlockSpec((T, E), lambda e, f: (0, 0)),
            pl.BlockSpec((1, D, FB), lambda e, f: (e, 0, f)),
            pl.BlockSpec((1, D, FB), lambda e, f: (e, 0, f)),
            pl.BlockSpec((1, FB, D), lambda e, f: (e, f, 0)),
        ],
        out_specs=pl.BlockSpec((T, D), lambda e, f: (0, 0)),
        out_shape=jax.ShapeDtypeStruct((T, D), jnp.float32),
    )(x, gates, W1, W3, W2)

# --- scband reference (transcript-rebuilt; emitter-appended) ---
"""Pipeline reference for scband-mixtral-mo-e-9019431321896 (READ-ONLY COPY).

The authoritative reference and input builder live on the scoring server;
editing this copy changes nothing except your own understanding.
"""

import jax, jax.numpy as jnp
import numpy as np

T = 128      # num tokens (decode step: batch=128, q_len=1)
D = 1024     # hidden_size
F = 4096     # intermediate_size
E = 8        # num_local_experts
K = 2        # num_experts_per_tok


def setup_inputs(seed: int = 0) -> dict:
    key = jax.random.key(seed)
    k1, k2, k3, k4, k5 = jax.random.split(key, 5)
    hidden_states = jax.random.normal(k1, (T, D), dtype=jnp.float32)
    Wg = jax.random.normal(k2, (D, E), dtype=jnp.float32) * 0.02
    W1 = jax.random.normal(k3, (E, D, F), dtype=jnp.float32) * 0.02
    W3 = jax.random.normal(k4, (E, D, F), dtype=jnp.float32) * 0.02
    W2 = jax.random.normal(k5, (E, F, D), dtype=jnp.float32) * 0.02
    return {"hidden_states": hidden_states, "Wg": Wg, "W1": W1, "W3": W3, "W2": W2}


def reference(hidden_states, Wg, W1, W3, W2):
    # Router gate (ReplicatedLinear, no bias)
    x = hidden_states.reshape(-1, hidden_states.shape[-1])
    router_logits = x @ Wg                                   # [T, E]
    probs = jax.nn.softmax(router_logits, axis=-1)
    topv, topi = jax.lax.top_k(probs, K)                     # [T, K]
    # renormalize=True in fused_marlin_moe
    routing_w = topv / jnp.sum(topv, axis=-1, keepdims=True) # [T, K]

    # Dense reference of all experts: MixtralMLP = w2(silu(w1 x) * w3 x)
    h1 = jnp.einsum('td,edf->tef', x, W1)                    # [T, E, F]
    h3 = jnp.einsum('td,edf->tef', x, W3)                    # [T, E, F]
    h = jax.nn.silu(h1) * h3                                 # [T, E, F]
    out_e = jnp.einsum('tef,efd->ted', h, W2)                # [T, E, D]

    # Gather the top-k experts per token and combine with routing weights
    sel = jnp.take_along_axis(out_e, topi[:, :, None], axis=1)  # [T, K, D]
    out = jnp.sum(sel * routing_w[:, :, None], axis=1)          # [T, D]
    return out

if __name__ == "__main__":
    import jax
    _d = setup_inputs()
    print(jax.jit(kernel)(*tuple(_d.values())))

</pallas_src>

<mosaic_0001>
#map = affine_map<(d0, d1) -> (0)>
module attributes {stable_mosaic.version = 14 : i64} {
  func.func @_sc_router(%arg0: i32, %arg1: i32, %arg2: memref<1024xf32, #tpu.memory_space<hbm>>, %arg3: memref<1024xf32, #tpu.memory_space<hbm>>, %arg4: memref<128xf32, #tpu.memory_space<vmem>>, %arg5: memref<128xf32, #tpu.memory_space<vmem>>) attributes {dimension_semantics = [#tpu.dimension_semantics<core_parallel>, #tpu.dimension_semantics<subcore_parallel>], iteration_bounds = array<i64: 2, 16>, scalar_prefetch = 0 : i64, scratch_operands = 2 : i64, tpu.core_type = #tpu.core_type<sc_vector_subcore>, window_params = [{transform_indices = #map}, {transform_indices = #map}]} {
    %mul3A = arith.constant 2 : i32
    %mul3A_0 = arith.muli %arg1, %mul3A : i32
    %add3A = arith.addi %mul3A_0, %arg0 : i32
    %lt3A = arith.constant 8 : i32
    %lt3A_1 = arith.cmpi slt, %add3A, %lt3A : i32
    %convert_element_type3A = arith.extui %lt3A_1 : i1 to i32
    %cond3A = arith.constant 0 : i32
    %cond3A_2 = arith.cmpi ne, %convert_element_type3A, %cond3A : i32
    scf.if %cond3A_2 {
      %mul3A_3 = arith.constant 128 : i32
      %mul3A_4 = arith.muli %add3A, %mul3A_3 : i32
      "tpu.region"() ({
        %run_scoped3A = tpu.sem_alloc : memref<!tpu.dma_semaphore, #tpu.memory_space<semaphore_mem>>
        %dma_start3A = tpu.memref_slice %arg2[%mul3A_4] : memref<1024xf32, #tpu.memory_space<hbm>> -> memref<128xf32, #tpu.memory_space<hbm>>
        %dma_start3A_260 = tpu.memref_slice %arg2[%mul3A_4] : memref<1024xf32, #tpu.memory_space<hbm>> -> memref<128xf32, #tpu.memory_space<hbm>>
        tpu.enqueue_dma source(%dma_start3A_260 : memref<128xf32, #tpu.memory_space<hbm>>) target(%arg4 : memref<128xf32, #tpu.memory_space<vmem>>) target_semaphore(%run_scoped3A : memref<!tpu.dma_semaphore, #tpu.memory_space<semaphore_mem>>)
        %dma_wait3A = tpu.memref_slice %arg2[%mul3A_4] : memref<1024xf32, #tpu.memory_space<hbm>> -> memref<128xf32, #tpu.memory_space<hbm>>
        %dma_wait3A_261 = tpu.memref_slice %arg2[%mul3A_4] : memref<1024xf32, #tpu.memory_space<hbm>> -> memref<128xf32, #tpu.memory_space<hbm>>
        tpu.wait_dma2 semaphore(%run_scoped3A : memref<!tpu.dma_semaphore, #tpu.memory_space<semaphore_mem>>) src(%dma_wait3A_261 : memref<128xf32, #tpu.memory_space<hbm>>) dst(%arg4 : memref<128xf32, #tpu.memory_space<vmem>>)
        tpu.yield
      }) : () -> ()
      %iota3A = tpu.iota {dimensions = array<i32: 0>} : vector<16xi32>
      %mul3A_5 = arith.constant 8 : i32
      %mul3A_6 = vector.broadcast %mul3A_5 : i32 to vector<16xi32>
      %mul3A_7 = arith.muli %iota3A, %mul3A_6 : vector<16xi32>
      %add3A_8 = arith.constant 0 : i32
      %add3A_9 = vector.broadcast %add3A_8 : i32 to vector<16xi32>
      %add3A_10 = arith.addi %mul3A_7, %add3A_9 : vector<16xi32>
      %gather3A = tpu.vector_load_idx %arg4[%add3A_10] : memref<128xf32, #tpu.memory_space<vmem>>[vector<16xi32>], vector<16xf32>,
      %mul3A_11 = arith.constant 8 : i32
      %mul3A_12 = vector.broadcast %mul3A_11 : i32 to vector<16xi32>
      %mul3A_13 = arith.muli %iota3A, %mul3A_12 : vector<16xi32>
      %add3A_14 = arith.constant 1 : i32
      %add3A_15 = vector.broadcast %add3A_14 : i32 to vector<16xi32>
      %add3A_16 = arith.addi %mul3A_13, %add3A_15 : vector<16xi32>
      %gather3A_17 = tpu.vector_load_idx %arg4[%add3A_16] : memref<128xf32, #tpu.memory_space<vmem>>[vector<16xi32>], vector<16xf32>,
      %mul3A_18 = arith.constant 8 : i32
      %mul3A_19 = vector.broadcast %mul3A_18 : i32 to vector<16xi32>
      %mul3A_20 = arith.muli %iota3A, %mul3A_19 : vector<16xi32>
      %add3A_21 = arith.constant 2 : i32
      %add3A_22 = vector.broadcast %add3A_21 : i32 to vector<16xi32>
      %add3A_23 = arith.addi %mul3A_20, %add3A_22 : vector<16xi32>
      %gather3A_24 = tpu.vector_load_idx %arg4[%add3A_23] : memref<128xf32, #tpu.memory_space<vmem>>[vector<16xi32>], vector<16xf32>,
      %mul3A_25 = arith.constant 8 : i32
      %mul3A_26 = vector.broadcast %mul3A_25 : i32 to vector<16xi32>
      %mul3A_27 = arith.muli %iota3A, %mul3A_26 : vector<16xi32>
      %add3A_28 = arith.constant 3 : i32
      %add3A_29 = vector.broadcast %add3A_28 : i32 to vector<16xi32>
      %add3A_30 = arith.addi %mul3A_27, %add3A_29 : vector<16xi32>
      %gather3A_31 = tpu.vector_load_idx %arg4[%add3A_30] : memref<128xf32, #tpu.memory_space<vmem>>[vector<16xi32>], vector<16xf32>,
      %mul3A_32 = arith.constant 8 : i32
      %mul3A_33 = vector.broadcast %mul3A_32 : i32 to vector<16xi32>
      %mul3A_34 = arith.muli %iota3A, %mul3A_33 : vector<16xi32>
      %add3A_35 = arith.constant 4 : i32
      %add3A_36 = vector.broadcast %add3A_35 : i32 to vector<16xi32>
      %add3A_37 = arith.addi %mul3A_34, %add3A_36 : vector<16xi32>
      %gather3A_38 = tpu.vector_load_idx %arg4[%add3A_37] : memref<128xf32, #tpu.memory_space<vmem>>[vector<16xi32>], vector<16xf32>,
      %mul3A_39 = arith.constant 8 : i32
      %mul3A_40 = vector.broadcast %mul3A_39 : i32 to vector<16xi32>
      %mul3A_41 = arith.muli %iota3A, %mul3A_40 : vector<16xi32>
      %add3A_42 = arith.constant 5 : i32
      %add3A_43 = vector.broadcast %add3A_42 : i32 to vector<16xi32>
      %add3A_44 = arith.addi %mul3A_41, %add3A_43 : vector<16xi32>
      %gather3A_45 = tpu.vector_load_idx %arg4[%add3A_44] : memref<128xf32, #tpu.memory_space<vmem>>[vector<16xi32>], vector<16xf32>,
      %mul3A_46 = arith.constant 8 : i32
      %mul3A_47 = vector.broadcast %mul3A_46 : i32 to vector<16xi32>
      %mul3A_48 = arith.muli %iota3A, %mul3A_47 : vector<16xi32>
      %add3A_49 = arith.constant 6 : i32
      %add3A_50 = vector.broadcast %add3A_49 : i32 to vector<16xi32>
      %add3A_51 = arith.addi %mul3A_48, %add3A_50 : vector<16xi32>
      %gather3A_52 = tpu.vector_load_idx %arg4[%add3A_51] : memref<128xf32, #tpu.memory_space<vmem>>[vector<16xi32>], vector<16xf32>,
      %mul3A_53 = arith.constant 8 : i32
      %mul3A_54 = vector.broadcast %mul3A_53 : i32 to vector<16xi32>
      %mul3A_55 = arith.muli %iota3A, %mul3A_54 : vector<16xi32>
      %add3A_56 = arith.constant 7 : i32
      %add3A_57 = vector.broadcast %add3A_56 : i32 to vector<16xi32>
      %add3A_58 = arith.addi %mul3A_55, %add3A_57 : vector<16xi32>
      %gather3A_59 = tpu.vector_load_idx %arg4[%add3A_58] : memref<128xf32, #tpu.memory_space<vmem>>[vector<16xi32>], vector<16xf32>,
      %max3A = arith.maximumf %gather3A, %gather3A_17 : vector<16xf32>
      %max3A_60 = arith.maximumf %max3A, %gather3A_24 : vector<16xf32>
      %max3A_61 = arith.maximumf %max3A_60, %gather3A_31 : vector<16xf32>
      %max3A_62 = arith.maximumf %max3A_61, %gather3A_38 : vector<16xf32>
      %max3A_63 = arith.maximumf %max3A_62, %gather3A_45 : vector<16xf32>
      %max3A_64 = arith.maximumf %max3A_63, %gather3A_52 : vector<16xf32>
      %max3A_65 = arith.maximumf %max3A_64, %gather3A_59 : vector<16xf32>
      %lt3A_66 = arith.cmpf olt, %max3A_65, %max3A_65 : vector<16xf32>
      %eq3A = arith.cmpf oeq, %gather3A, %max3A_65 : vector<16xf32>
      %not3A = arith.constant dense<true> : vector<16xi1>
      %not3A_67 = arith.xori %lt3A_66, %not3A : vector<16xi1>
      %and3A = arith.andi %eq3A, %not3A_67 : vector<16xi1>
      %or3A = arith.ori %lt3A_66, %and3A : vector<16xi1>
      %eq3A_68 = arith.cmpf oeq, %gather3A_17, %max3A_65 : vector<16xf32>
      %not3A_69 = arith.constant dense<true> : vector<16xi1>
      %not3A_70 = arith.xori %or3A, %not3A_69 : vector<16xi1>
      %and3A_71 = arith.andi %eq3A_68, %not3A_70 : vector<16xi1>
      %or3A_72 = arith.ori %or3A, %and3A_71 : vector<16xi1>
      %eq3A_73 = arith.cmpf oeq, %gather3A_24, %max3A_65 : vector<16xf32>
      %not3A_74 = arith.constant dense<true> : vector<16xi1>
      %not3A_75 = arith.xori %or3A_72, %not3A_74 : vector<16xi1>
      %and3A_76 = arith.andi %eq3A_73, %not3A_75 : vector<16xi1>
      %or3A_77 = arith.ori %or3A_72, %and3A_76 : vector<16xi1>
      %eq3A_78 = arith.cmpf oeq, %gather3A_31, %max3A_65 : vector<16xf32>
      %not3A_79 = arith.constant dense<true> : vector<16xi1>
      %not3A_80 = arith.xori %or3A_77, %not3A_79 : vector<16xi1>
      %and3A_81 = arith.andi %eq3A_78, %not3A_80 : vector<16xi1>
      %or3A_82 = arith.ori %or3A_77, %and3A_81 : vector<16xi1>
      %eq3A_83 = arith.cmpf oeq, %gather3A_38, %max3A_65 : vector<16xf32>
      %not3A_84 = arith.constant dense<true> : vector<16xi1>
      %not3A_85 = arith.xori %or3A_82, %not3A_84 : vector<16xi1>
      %and3A_86 = arith.andi %eq3A_83, %not3A_85 : vector<16xi1>
      %or3A_87 = arith.ori %or3A_82, %and3A_86 : vector<16xi1>
      %eq3A_88 = arith.cmpf oeq, %gather3A_45, %max3A_65 : vector<16xf32>
      %not3A_89 = arith.constant dense<true> : vector<16xi1>
      %not3A_90 = arith.xori %or3A_87, %not3A_89 : vector<16xi1>
      %and3A_91 = arith.andi %eq3A_88, %not3A_90 : vector<16xi1>
      %or3A_92 = arith.ori %or3A_87, %and3A_91 : vector<16xi1>
      %eq3A_93 = arith.cmpf oeq, %gather3A_52, %max3A_65 : vector<16xf32>
      %not3A_94 = arith.constant dense<true> : vector<16xi1>
      %not3A_95 = arith.xori %or3A_92, %not3A_94 : vector<16xi1>
      %and3A_96 = arith.andi %eq3A_93, %not3A_95 : vector<16xi1>
      %or3A_97 = arith.ori %or3A_92, %and3A_96 : vector<16xi1>
      %eq3A_98 = arith.cmpf oeq, %gather3A_59, %max3A_65 : vector<16xf32>
      %not3A_99 = arith.constant dense<true> : vector<16xi1>
      %not3A_100 = arith.xori %or3A_97, %not3A_99 : vector<16xi1>
      %and3A_101 = arith.andi %eq3A_98, %not3A_100 : vector<16xi1>
      %or3A_102 = arith.ori %or3A_97, %and3A_101 : vector<16xi1>
      %jit3A = arith.constant -1.000000e+30 : f32
      %broadcast_in_dim3A = vector.broadcast %jit3A : f32 to vector<16xf32>
      %select_n3A = arith.select %and3A, %broadcast_in_dim3A, %gather3A : vector<16xi1>, vector<16xf32>
      %jit3A_103 = arith.constant -1.000000e+30 : f32
      %broadcast_in_dim3A_104 = vector.broadcast %jit3A_103 : f32 to vector<16xf32>
      %select_n3A_105 = arith.select %and3A_71, %broadcast_in_dim3A_104, %gather3A_17 : vector<16xi1>, vector<16xf32>
      %jit3A_106 = arith.constant -1.000000e+30 : f32
      %broadcast_in_dim3A_107 = vector.broadcast %jit3A_106 : f32 to vector<16xf32>
      %select_n3A_108 = arith.select %and3A_76, %broadcast_in_dim3A_107, %gather3A_24 : vector<16xi1>, vector<16xf32>
      %jit3A_109 = arith.constant -1.000000e+30 : f32
      %broadcast_in_dim3A_110 = vector.broadcast %jit3A_109 : f32 to vector<16xf32>
      %select_n3A_111 = arith.select %and3A_81, %broadcast_in_dim3A_110, %gather3A_31 : vector<16xi1>, vector<16xf32>
      %jit3A_112 = arith.constant -1.000000e+30 : f32
      %broadcast_in_dim3A_113 = vector.broadcast %jit3A_112 : f32 to vector<16xf32>
      %select_n3A_114 = arith.select %and3A_86, %broadcast_in_dim3A_113, %gather3A_38 : vector<16xi1>, vector<16xf32>
      %jit3A_115 = arith.constant -1.000000e+30 : f32
      %broadcast_in_dim3A_116 = vector.broadcast %jit3A_115 : f32 to vector<16xf32>
      %select_n3A_117 = arith.select %and3A_91, %broadcast_in_dim3A_116, %gather3A_45 : vector<16xi1>, vector<16xf32>
      %jit3A_118 = arith.constant -1.000000e+30 : f32
      %broadcast_in_dim3A_119 = vector.broadcast %jit3A_118 : f32 to vector<16xf32>
      %select_n3A_120 = arith.select %and3A_96, %broadcast_in_dim3A_119, %gather3A_52 : vector<16xi1>, vector<16xf32>
      %jit3A_121 = arith.constant -1.000000e+30 : f32
      %broadcast_in_dim3A_122 = vector.broadcast %jit3A_121 : f32 to vector<16xf32>
      %select_n3A_123 = arith.select %and3A_101, %broadcast_in_dim3A_122, %gather3A_59 : vector<16xi1>, vector<16xf32>
      %max3A_124 = arith.maximumf %select_n3A, %select_n3A_105 : vector<16xf32>
      %max3A_125 = arith.maximumf %max3A_124, %select_n3A_108 : vector<16xf32>
      %max3A_126 = arith.maximumf %max3A_125, %select_n3A_111 : vector<16xf32>
      %max3A_127 = arith.maximumf %max3A_126, %select_n3A_114 : vector<16xf32>
      %max3A_128 = arith.maximumf %max3A_127, %select_n3A_117 : vector<16xf32>
      %max3A_129 = arith.maximumf %max3A_128, %select_n3A_120 : vector<16xf32>
      %max3A_130 = arith.maximumf %max3A_129, %select_n3A_123 : vector<16xf32>
      %lt3A_131 = arith.cmpf olt, %max3A_130, %max3A_130 : vector<16xf32>
      %eq3A_132 = arith.cmpf oeq, %select_n3A, %max3A_130 : vector<16xf32>
      %not3A_133 = arith.constant dense<true> : vector<16xi1>
      %not3A_134 = arith.xori %lt3A_131, %not3A_133 : vector<16xi1>
      %and3A_135 = arith.andi %eq3A_132, %not3A_134 : vector<16xi1>
      %or3A_136 = arith.ori %lt3A_131, %and3A_135 : vector<16xi1>
      %eq3A_137 = arith.cmpf oeq, %select_n3A_105, %max3A_130 : vector<16xf32>
      %not3A_138 = arith.constant dense<true> : vector<16xi1>
      %not3A_139 = arith.xori %or3A_136, %not3A_138 : vector<16xi1>
      %and3A_140 = arith.andi %eq3A_137, %not3A_139 : vector<16xi1>
      %or3A_141 = arith.ori %or3A_136, %and3A_140 : vector<16xi1>
      %eq3A_142 = arith.cmpf oeq, %select_n3A_108, %max3A_130 : vector<16xf32>
      %not3A_143 = arith.constant dense<true> : vector<16xi1>
      %not3A_144 = arith.xori %or3A_141, %not3A_143 : vector<16xi1>
      %and3A_145 = arith.andi %eq3A_142, %not3A_144 : vector<16xi1>
      %or3A_146 = arith.ori %or3A_141, %and3A_145 : vector<16xi1>
      %eq3A_147 = arith.cmpf oeq, %select_n3A_111, %max3A_130 : vector<16xf32>
      %not3A_148 = arith.constant dense<true> : vector<16xi1>
      %not3A_149 = arith.xori %or3A_146, %not3A_148 : vector<16xi1>
      %and3A_150 = arith.andi %eq3A_147, %not3A_149 : vector<16xi1>
      %or3A_151 = arith.ori %or3A_146, %and3A_150 : vector<16xi1>
      %eq3A_152 = arith.cmpf oeq, %select_n3A_114, %max3A_130 : vector<16xf32>
      %not3A_153 = arith.constant dense<true> : vector<16xi1>
      %not3A_154 = arith.xori %or3A_151, %not3A_153 : vector<16xi1>
      %and3A_155 = arith.andi %eq3A_152, %not3A_154 : vector<16xi1>
      %or3A_156 = arith.ori %or3A_151, %and3A_155 : vector<16xi1>
      %eq3A_157 = arith.cmpf oeq, %select_n3A_117, %max3A_130 : vector<16xf32>
      %not3A_158 = arith.constant dense<true> : vector<16xi1>
      %not3A_159 = arith.xori %or3A_156, %not3A_158 : vector<16xi1>
      %and3A_160 = arith.andi %eq3A_157, %not3A_159 : vector<16xi1>
      %or3A_161 = arith.ori %or3A_156, %and3A_160 : vector<16xi1>
      %eq3A_162 = arith.cmpf oeq, %select_n3A_120, %max3A_130 : vector<16xf32>
      %not3A_163 = arith.constant dense<true> : vector<16xi1>
      %not3A_164 = arith.xori %or3A_161, %not3A_163 : vector<16xi1>
      %and3A_165 = arith.andi %eq3A_162, %not3A_164 : vector<16xi1>
      %or3A_166 = arith.ori %or3A_161, %and3A_165 : vector<16xi1>
      %eq3A_167 = arith.cmpf oeq, %select_n3A_123, %max3A_130 : vector<16xf32>
      %not3A_168 = arith.constant dense<true> : vector<16xi1>
      %not3A_169 = arith.xori %or3A_166, %not3A_168 : vector<16xi1>
      %and3A_170 = arith.andi %eq3A_167, %not3A_169 : vector<16xi1>
      %or3A_171 = arith.ori %or3A_166, %and3A_170 : vector<16xi1>
      %sub3A = arith.subf %max3A_130, %max3A_65 : vector<16xf32>
      %exp3A = math.exp %sub3A : vector<16xf32>
      %add3A_172 = arith.constant 1.000000e+00 : f32
      %add3A_173 = vector.broadcast %add3A_172 : f32 to vector<16xf32>
      %add3A_174 = arith.addf %add3A_173, %exp3A : vector<16xf32>
      %div3A = arith.constant 1.000000e+00 : f32
      %div3A_175 = vector.broadcast %div3A : f32 to vector<16xf32>
      %div3A_176 = arith.divf %div3A_175, %add3A_174 : vector<16xf32>
      %sub3A_177 = arith.constant 1.000000e+00 : f32
      %sub3A_178 = vector.broadcast %sub3A_177 : f32 to vector<16xf32>
      %sub3A_179 = arith.subf %sub3A_178, %div3A_176 : vector<16xf32>
      %jit3A_180 = arith.constant 0.000000e+00 : f32
      %broadcast_in_dim3A_181 = vector.broadcast %jit3A_180 : f32 to vector<16xf32>
      %select_n3A_182 = arith.select %and3A_135, %sub3A_179, %broadcast_in_dim3A_181 : vector<16xi1>, vector<16xf32>
      %select_n3A_183 = arith.select %and3A, %div3A_176, %select_n3A_182 : vector<16xi1>, vector<16xf32>
      %mul3A_184 = arith.constant 8 : i32
      %mul3A_185 = vector.broadcast %mul3A_184 : i32 to vector<16xi32>
      %mul3A_186 = arith.muli %iota3A, %mul3A_185 : vector<16xi32>
      %add3A_187 = arith.constant 0 : i32
      %add3A_188 = vector.broadcast %add3A_187 : i32 to vector<16xi32>
      %add3A_189 = arith.addi %mul3A_186, %add3A_188 : vector<16xi32>
      tpu.vector_store_idx %arg5[%add3A_189], %select_n3A_183 : memref<128xf32, #tpu.memory_space<vmem>>[vector<16xi32>], vector<16xf32>,
      %jit3A_190 = arith.constant 0.000000e+00 : f32
      %broadcast_in_dim3A_191 = vector.broadcast %jit3A_190 : f32 to vector<16xf32>
      %select_n3A_192 = arith.select %and3A_140, %sub3A_179, %broadcast_in_dim3A_191 : vector<16xi1>, vector<16xf32>
      %select_n3A_193 = arith.select %and3A_71, %div3A_176, %select_n3A_192 : vector<16xi1>, vector<16xf32>
      %mul3A_194 = arith.constant 8 : i32
      %mul3A_195 = vector.broadcast %mul3A_194 : i32 to vector<16xi32>
      %mul3A_196 = arith.muli %iota3A, %mul3A_195 : vector<16xi32>
      %add3A_197 = arith.constant 1 : i32
      %add3A_198 = vector.broadcast %add3A_197 : i32 to vector<16xi32>
      %add3A_199 = arith.addi %mul3A_196, %add3A_198 : vector<16xi32>
      tpu.vector_store_idx %arg5[%add3A_199], %select_n3A_193 : memref<128xf32, #tpu.memory_space<vmem>>[vector<16xi32>], vector<16xf32>,
      %jit3A_200 = arith.constant 0.000000e+00 : f32
      %broadcast_in_dim3A_201 = vector.broadcast %jit3A_200 : f32 to vector<16xf32>
      %select_n3A_202 = arith.select %and3A_145, %sub3A_179, %broadcast_in_dim3A_201 : vector<16xi1>, vector<16xf32>
      %select_n3A_203 = arith.select %and3A_76, %div3A_176, %select_n3A_202 : vector<16xi1>, vector<16xf32>
      %mul3A_204 = arith.constant 8 : i32
      %mul3A_205 = vector.broadcast %mul3A_204 : i32 to vector<16xi32>
      %mul3A_206 = arith.muli %iota3A, %mul3A_205 : vector<16xi32>
      %add3A_207 = arith.constant 2 : i32
      %add3A_208 = vector.broadcast %add3A_207 : i32 to vector<16xi32>
      %add3A_209 = arith.addi %mul3A_206, %add3A_208 : vector<16xi32>
      tpu.vector_store_idx %arg5[%add3A_209], %select_n3A_203 : memref<128xf32, #tpu.memory_space<vmem>>[vector<16xi32>], vector<16xf32>,
      %jit3A_210 = arith.constant 0.000000e+00 : f32
      %broadcast_in_dim3A_211 = vector.broadcast %jit3A_210 : f32 to vector<16xf32>
      %select_n3A_212 = arith.select %and3A_150, %sub3A_179, %broadcast_in_dim3A_211 : vector<16xi1>, vector<16xf32>
      %select_n3A_213 = arith.select %and3A_81, %div3A_176, %select_n3A_212 : vector<16xi1>, vector<16xf32>
      %mul3A_214 = arith.constant 8 : i32
      %mul3A_215 = vector.broadcast %mul3A_214 : i32 to vector<16xi32>
      %mul3A_216 = arith.muli %iota3A, %mul3A_215 : vector<16xi32>
      %add3A_217 = arith.constant 3 : i32
      %add3A_218 = vector.broadcast %add3A_217 : i32 to vector<16xi32>
      %add3A_219 = arith.addi %mul3A_216, %add3A_218 : vector<16xi32>
      tpu.vector_store_idx %arg5[%add3A_219], %select_n3A_213 : memref<128xf32, #tpu.memory_space<vmem>>[vector<16xi32>], vector<16xf32>,
      %jit3A_220 = arith.constant 0.000000e+00 : f32
      %broadcast_in_dim3A_221 = vector.broadcast %jit3A_220 : f32 to vector<16xf32>
      %select_n3A_222 = arith.select %and3A_155, %sub3A_179, %broadcast_in_dim3A_221 : vector<16xi1>, vector<16xf32>
      %select_n3A_223 = arith.select %and3A_86, %div3A_176, %select_n3A_222 : vector<16xi1>, vector<16xf32>
      %mul3A_224 = arith.constant 8 : i32
      %mul3A_225 = vector.broadcast %mul3A_224 : i32 to vector<16xi32>
      %mul3A_226 = arith.muli %iota3A, %mul3A_225 : vector<16xi32>
      %add3A_227 = arith.constant 4 : i32
      %add3A_228 = vector.broadcast %add3A_227 : i32 to vector<16xi32>
      %add3A_229 = arith.addi %mul3A_226, %add3A_228 : vector<16xi32>
      tpu.vector_store_idx %arg5[%add3A_229], %select_n3A_223 : memref<128xf32, #tpu.memory_space<vmem>>[vector<16xi32>], vector<16xf32>,
      %jit3A_230 = arith.constant 0.000000e+00 : f32
      %broadcast_in_dim3A_231 = vector.broadcast %jit3A_230 : f32 to vector<16xf32>
      %select_n3A_232 = arith.select %and3A_160, %sub3A_179, %broadcast_in_dim3A_231 : vector<16xi1>, vector<16xf32>
      %select_n3A_233 = arith.select %and3A_91, %div3A_176, %select_n3A_232 : vector<16xi1>, vector<16xf32>
      %mul3A_234 = arith.constant 8 : i32
      %mul3A_235 = vector.broadcast %mul3A_234 : i32 to vector<16xi32>
      %mul3A_236 = arith.muli %iota3A, %mul3A_235 : vector<16xi32>
      %add3A_237 = arith.constant 5 : i32
      %add3A_238 = vector.broadcast %add3A_237 : i32 to vector<16xi32>
      %add3A_239 = arith.addi %mul3A_236, %add3A_238 : vector<16xi32>
      tpu.vector_store_idx %arg5[%add3A_239], %select_n3A_233 : memref<128xf32, #tpu.memory_space<vmem>>[vector<16xi32>], vector<16xf32>,
      %jit3A_240 = arith.constant 0.000000e+00 : f32
      %broadcast_in_dim3A_241 = vector.broadcast %jit3A_240 : f32 to vector<16xf32>
      %select_n3A_242 = arith.select %and3A_165, %sub3A_179, %broadcast_in_dim3A_241 : vector<16xi1>, vector<16xf32>
      %select_n3A_243 = arith.select %and3A_96, %div3A_176, %select_n3A_242 : vector<16xi1>, vector<16xf32>
      %mul3A_244 = arith.constant 8 : i32
      %mul3A_245 = vector.broadcast %mul3A_244 : i32 to vector<16xi32>
      %mul3A_246 = arith.muli %iota3A, %mul3A_245 : vector<16xi32>
      %add3A_247 = arith.constant 6 : i32
      %add3A_248 = vector.broadcast %add3A_247 : i32 to vector<16xi32>
      %add3A_249 = arith.addi %mul3A_246, %add3A_248 : vector<16xi32>
      tpu.vector_store_idx %arg5[%add3A_249], %select_n3A_243 : memref<128xf32, #tpu.memory_space<vmem>>[vector<16xi32>], vector<16xf32>,
      %jit3A_250 = arith.constant 0.000000e+00 : f32
      %broadcast_in_dim3A_251 = vector.broadcast %jit3A_250 : f32 to vector<16xf32>
      %select_n3A_252 = arith.select %and3A_170, %sub3A_179, %broadcast_in_dim3A_251 : vector<16xi1>, vector<16xf32>
      %select_n3A_253 = arith.select %and3A_101, %div3A_176, %select_n3A_252 : vector<16xi1>, vector<16xf32>
      %mul3A_254 = arith.constant 8 : i32
      %mul3A_255 = vector.broadcast %mul3A_254 : i32 to vector<16xi32>
      %mul3A_256 = arith.muli %iota3A, %mul3A_255 : vector<16xi32>
      %add3A_257 = arith.constant 7 : i32
      %add3A_258 = vector.broadcast %add3A_257 : i32 to vector<16xi32>
      %add3A_259 = arith.addi %mul3A_256, %add3A_258 : vector<16xi32>
      tpu.vector_store_idx %arg5[%add3A_259], %select_n3A_253 : memref<128xf32, #tpu.memory_space<vmem>>[vector<16xi32>], vector<16xf32>,
      "tpu.region"() ({
        %run_scoped3A = tpu.sem_alloc : memref<!tpu.dma_semaphore, #tpu.memory_space<semaphore_mem>>
        %dma_start3A = tpu.memref_slice %arg3[%mul3A_4] : memref<1024xf32, #tpu.memory_space<hbm>> -> memref<128xf32, #tpu.memory_space<hbm>>
        %dma_start3A_260 = tpu.memref_slice %arg3[%mul3A_4] : memref<1024xf32, #tpu.memory_space<hbm>> -> memref<128xf32, #tpu.memory_space<hbm>>
        tpu.enqueue_dma source(%arg5 : memref<128xf32, #tpu.memory_space<vmem>>) target(%dma_start3A_260 : memref<128xf32, #tpu.memory_space<hbm>>) target_semaphore(%run_scoped3A : memref<!tpu.dma_semaphore, #tpu.memory_space<semaphore_mem>>)
        %dma_wait3A = tpu.memref_slice %arg3[%mul3A_4] : memref<1024xf32, #tpu.memory_space<hbm>> -> memref<128xf32, #tpu.memory_space<hbm>>
        %dma_wait3A_261 = tpu.memref_slice %arg3[%mul3A_4] : memref<1024xf32, #tpu.memory_space<hbm>> -> memref<128xf32, #tpu.memory_space<hbm>>
        tpu.wait_dma2 semaphore(%run_scoped3A : memref<!tpu.dma_semaphore, #tpu.memory_space<semaphore_mem>>) src(%arg5 : memref<128xf32, #tpu.memory_space<vmem>>) dst(%dma_wait3A_261 : memref<128xf32, #tpu.memory_space<hbm>>)
        tpu.yield
      }) : () -> ()
    } else {
    }
    return
  }
}

module attributes {stable_mosaic.version = 14 : i64} {
  func.func @_logits_kernel(%arg0: memref<128x1024xf32, #tpu.memory_space<vmem>>, %arg1: memref<1024x8xf32, #tpu.memory_space<vmem>>, %arg2: memref<128x8xf32, #tpu.memory_space<vmem>>) attributes {dimension_semantics = [], scalar_prefetch = 0 : i64, scratch_operands = 0 : i64, tpu.core_type = #tpu.core_type<tc>} {
    %get3A = arith.constant 0 : index
    %get3A_0 = arith.constant 0 : index
    %get3A_1 = vector.load %arg0[%get3A, %get3A_0] : memref<128x1024xf32, #tpu.memory_space<vmem>>, vector<128x1024xf32>
    %get3A_2 = arith.constant 0 : index
    %get3A_3 = arith.constant 0 : index
    %get3A_4 = vector.load %arg1[%get3A_2, %get3A_3] : memref<1024x8xf32, #tpu.memory_space<vmem>>, vector<1024x8xf32>
    %dot_general3A = arith.constant dense<0.000000e+00> : vector<128x8xf32>
    %dot_general3A_5 = tpu.matmul %get3A_1, %get3A_4, %dot_general3A {dimension_numbers = #tpu.dot_dimension_numbers<[1], [0], [0], [1], [0, 0, 1, 1], [], []>, transpose_lhs_hint = false} : vector<128x1024xf32>, vector<1024x8xf32>, vector<128x8xf32> -> vector<128x8xf32>
    %swap3A = arith.constant 0 : index
    %swap3A_6 = arith.constant 0 : index
    %swap3A_7 = vector.load %arg2[%swap3A, %swap3A_6] : memref<128x8xf32, #tpu.memory_space<vmem>>, vector<128x8xf32>
    tpu.vector_store %arg2[%swap3A, %swap3A_6], %dot_general3A_5 {strides = array<i32>} : memref<128x8xf32, #tpu.memory_space<vmem>>, vector<128x8xf32>,
    return
  }
}

module attributes {stable_mosaic.version = 14 : i64} {
  func.func @_moe_kernel(%arg0: i32, %arg1: i32, %arg2: memref<128x1024xf32, #tpu.memory_space<vmem>>, %arg3: memref<128x8xf32, #tpu.memory_space<vmem>>, %arg4: memref<1x1024x1024xf32, #tpu.memory_space<vmem>>, %arg5: memref<1x1024x1024xf32, #tpu.memory_space<vmem>>, %arg6: memref<1x1024x1024xf32, #tpu.memory_space<vmem>>, %arg7: memref<128x1024xf32, #tpu.memory_space<vmem>>) attributes {dimension_semantics = [#tpu.dimension_semantics<arbitrary>, #tpu.dimension_semantics<arbitrary>], iteration_bounds = array<i64: 8, 4>, scalar_prefetch = 0 : i64, scratch_operands = 0 : i64, tpu.core_type = #tpu.core_type<tc>, window_params = [{pipeline_mode = #tpu.pipeline_mode<synchronous>, transform_indices = @transform_0, window_bounds = array<i64: 128, 1024>}, {pipeline_mode = #tpu.pipeline_mode<synchronous>, transform_indices = @transform_1, window_bounds = array<i64: 128, 8>}, {transform_indices = @transform_2, window_bounds = array<i64: 1, 1024, 1024>}, {transform_indices = @transform_3, window_bounds = array<i64: 1, 1024, 1024>}, {transform_indices = @transform_4, window_bounds = array<i64: 1, 1024, 1024>}, {pipeline_mode = #tpu.pipeline_mode<synchronous>, transform_indices = @transform_5, window_bounds = array<i64: 128, 1024>}]} {
    %eq3A = arith.constant 0 : i32
    %eq3A_0 = arith.cmpi eq, %arg0, %eq3A : i32
    %eq3A_1 = arith.constant 0 : i32
    %eq3A_2 = arith.cmpi eq, %arg1, %eq3A_1 : i32
    %and3A = arith.andi %eq3A_0, %eq3A_2 : i1
    %convert_element_type3A = arith.extui %and3A : i1 to i32
    %cond3A = arith.constant 0 : i32
    %cond3A_3 = arith.cmpi ne, %convert_element_type3A, %cond3A : i32
    scf.if %cond3A_3 {
      %broadcast_in_dim3A_51 = arith.constant 0.000000e+00 : f32
      %broadcast_in_dim3A_52 = vector.broadcast %broadcast_in_dim3A_51 : f32 to vector<128x1024xf32>
      %swap3A_53 = arith.constant 0 : index
      %swap3A_54 = arith.constant 0 : index
      %swap3A_55 = vector.load %arg7[%swap3A_53, %swap3A_54] : memref<128x1024xf32, #tpu.memory_space<vmem>>, vector<128x1024xf32>
      tpu.vector_store %arg7[%swap3A_53, %swap3A_54], %broadcast_in_dim3A_52 {strides = array<i32>} : memref<128x1024xf32, #tpu.memory_space<vmem>>, vector<128x1024xf32>,
    } else {
    }
    %get3A = arith.constant 0 : index
    %get3A_4 = arith.constant 0 : index
    %get3A_5 = vector.load %arg2[%get3A, %get3A_4] : memref<128x1024xf32, #tpu.memory_space<vmem>>, vector<128x1024xf32>
    %convert_element_type3A_6 = arith.truncf %get3A_5 : vector<128x1024xf32> to vector<128x1024xbf16>
    %get3A_7 = arith.constant 0 : index
    %get3A_8 = arith.constant 0 : index
    %get3A_9 = arith.constant 0 : index
    %get3A_10 = vector.load %arg4[%get3A_7, %get3A_8, %get3A_9] : memref<1x1024x1024xf32, #tpu.memory_space<vmem>>, vector<1x1024x1024xf32>
    %get3A_11 = vector.shape_cast %get3A_10 : vector<1x1024x1024xf32> to vector<1024x1024xf32>
    %convert_element_type3A_12 = arith.truncf %get3A_11 : vector<1024x1024xf32> to vector<1024x1024xbf16>
    %dot_general3A = arith.constant dense<0.000000e+00> : vector<128x1024xf32>
    %dot_general3A_13 = tpu.matmul %convert_element_type3A_6, %convert_element_type3A_12, %dot_general3A {dimension_numbers = #tpu.dot_dimension_numbers<[1], [0], [0], [1], [0, 0, 1, 1], [], []>, transpose_lhs_hint = false} : vector<128x1024xbf16>, vector<1024x1024xbf16>, vector<128x1024xf32> -> vector<128x1024xf32>
    %get3A_14 = arith.constant 0 : index
    %get3A_15 = arith.constant 0 : index
    %get3A_16 = arith.constant 0 : index
    %get3A_17 = vector.load %arg5[%get3A_14, %get3A_15, %get3A_16] : memref<1x1024x1024xf32, #tpu.memory_space<vmem>>, vector<1x1024x1024xf32>
    %get3A_18 = vector.shape_cast %get3A_17 : vector<1x1024x1024xf32> to vector<1024x1024xf32>
    %convert_element_type3A_19 = arith.truncf %get3A_18 : vector<1024x1024xf32> to vector<1024x1024xbf16>
    %dot_general3A_20 = arith.constant dense<0.000000e+00> : vector<128x1024xf32>
    %dot_general3A_21 = tpu.matmul %convert_element_type3A_6, %convert_element_type3A_19, %dot_general3A_20 {dimension_numbers = #tpu.dot_dimension_numbers<[1], [0], [0], [1], [0, 0, 1, 1], [], []>, transpose_lhs_hint = false} : vector<128x1024xbf16>, vector<1024x1024xbf16>, vector<128x1024xf32> -> vector<128x1024xf32>
    %logistic3A = arith.negf %dot_general3A_13 : vector<128x1024xf32>
    %logistic3A_22 = math.exp %logistic3A : vector<128x1024xf32>
    %logistic3A_23 = arith.constant 1.000000e+00 : f32
    %logistic3A_24 = vector.broadcast %logistic3A_23 : f32 to vector<128x1024xf32>
    %logistic3A_25 = arith.addf %logistic3A_24, %logistic3A_22 : vector<128x1024xf32>
    %logistic3A_26 = arith.divf %logistic3A_24, %logistic3A_25 : vector<128x1024xf32>
    %mul3A = arith.mulf %dot_general3A_13, %logistic3A_26 : vector<128x1024xf32>
    %mul3A_27 = arith.mulf %mul3A, %dot_general3A_21 : vector<128x1024xf32>
    %iota3A = tpu.iota {dimensions = array<i32: 1>} : vector<128x8xi32>
    %eq3A_28 = vector.broadcast %arg0 : i32 to vector<128x8xi32>
    %eq3A_29 = arith.cmpi eq, %iota3A, %eq3A_28 : vector<128x8xi32>
    %get3A_30 = arith.constant 0 : index
    %get3A_31 = arith.constant 0 : index
    %get3A_32 = vector.load %arg3[%get3A_30, %get3A_31] : memref<128x8xf32, #tpu.memory_space<vmem>>, vector<128x8xf32>
    %jit3A = arith.constant 0.000000e+00 : f32
    %broadcast_in_dim3A = vector.broadcast %jit3A : f32 to vector<128x8xf32>
    %select_n3A = arith.select %eq3A_29, %get3A_32, %broadcast_in_dim3A : vector<128x8xi1>, vector<128x8xf32>
    %reduce_sum3A = arith.constant dense<0.000000e+00> : vector<128xf32>
    %reduce_sum3A_33 = vector.multi_reduction <add>, %select_n3A, %reduce_sum3A [1] : vector<128x8xf32> to vector<128xf32>
    %broadcast_in_dim3A_34 = vector.shape_cast %reduce_sum3A_33 : vector<128xf32> to vector<128x1xf32>
    %get3A_35 = arith.constant 0 : index
    %get3A_36 = arith.constant 0 : index
    %get3A_37 = vector.load %arg7[%get3A_35, %get3A_36] : memref<128x1024xf32, #tpu.memory_space<vmem>>, vector<128x1024xf32>
    %mul3A_38 = vector.broadcast %broadcast_in_dim3A_34 : vector<128x1xf32> to vector<128x1024xf32>
    %mul3A_39 = arith.mulf %mul3A_27, %mul3A_38 : vector<128x1024xf32>
    %convert_element_type3A_40 = arith.truncf %mul3A_39 : vector<128x1024xf32> to vector<128x1024xbf16>
    %get3A_41 = arith.constant 0 : index
    %get3A_42 = arith.constant 0 : index
    %get3A_43 = arith.constant 0 : index
    %get3A_44 = vector.load %arg6[%get3A_41, %get3A_42, %get3A_43] : memref<1x1024x1024xf32, #tpu.memory_space<vmem>>, vector<1x1024x1024xf32>
    %get3A_45 = vector.shape_cast %get3A_44 : vector<1x1024x1024xf32> to vector<1024x1024xf32>
    %convert_element_type3A_46 = arith.truncf %get3A_45 : vector<1024x1024xf32> to vector<1024x1024xbf16>
    %dot_general3A_47 = arith.constant dense<0.000000e+00> : vector<128x1024xf32>
    %dot_general3A_48 = tpu.matmul %convert_element_type3A_40, %convert_element_type3A_46, %dot_general3A_47 {dimension_numbers = #tpu.dot_dimension_numbers<[1], [0], [0], [1], [0, 0, 1, 1], [], []>, transpose_lhs_hint = false} : vector<128x1024xbf16>, vector<1024x1024xbf16>, vector<128x1024xf32> -> vector<128x1024xf32>
    %add3A = arith.addf %get3A_37, %dot_general3A_48 : vector<128x1024xf32>
    %swap3A = arith.constant 0 : index
    %swap3A_49 = arith.constant 0 : index
    %swap3A_50 = vector.load %arg7[%swap3A, %swap3A_49] : memref<128x1024xf32, #tpu.memory_space<vmem>>, vector<128x1024xf32>
    tpu.vector_store %arg7[%swap3A, %swap3A_49], %add3A {strides = array<i32>} : memref<128x1024xf32, #tpu.memory_space<vmem>>, vector<128x1024xf32>,
    return
  }
  func.func @transform_0(%arg0: i32, %arg1: i32) -> (i32, i32) {
    %c0_i32 = arith.constant 0 : i32
    %c0_i32_0 = arith.constant 0 : i32
    %c0_i32_1 = arith.constant 0 : i32
    return %c0_i32, %c0_i32_0 : i32, i32
  }
  func.func @transform_1(%arg0: i32, %arg1: i32) -> (i32, i32) {
    %c0_i32 = arith.constant 0 : i32
    %c0_i32_0 = arith.constant 0 : i32
    %c0_i32_1 = arith.constant 0 : i32
    return %c0_i32, %c0_i32_0 : i32, i32
  }
  func.func @transform_2(%arg0: i32, %arg1: i32) -> (i32, i32, i32) {
    %c0_i32 = arith.constant 0 : i32
    %c0_i32_0 = arith.constant 0 : i32
    return %arg0, %c0_i32, %arg1 : i32, i32, i32
  }
  func.func @transform_3(%arg0: i32, %arg1: i32) -> (i32, i32, i32) {
    %c0_i32 = arith.constant 0 : i32
    %c0_i32_0 = arith.constant 0 : i32
    return %arg0, %c0_i32, %arg1 : i32, i32, i32
  }
  func.func @transform_4(%arg0: i32, %arg1: i32) -> (i32, i32, i32) {
    %c0_i32 = arith.constant 0 : i32
    %c0_i32_0 = arith.constant 0 : i32
    return %arg0, %arg1, %c0_i32 : i32, i32, i32
  }
  func.func @transform_5(%arg0: i32, %arg1: i32) -> (i32, i32) {
    %c0_i32 = arith.constant 0 : i32
    %c0_i32_0 = arith.constant 0 : i32
    %c0_i32_1 = arith.constant 0 : i32
    return %c0_i32, %c0_i32_0 : i32, i32
  }
}

</mosaic_0001>

<sc_bundles>
// kernel: kernel.5.cloned.1.call-start
scs
__scs_entry_jumppad:
0x0: {  	(pc) =	sbr.rel $0x88, $3  }
0x1: {  	(tag) =	ssettag $0x0;
	lr =	simm.s32 $0x1  }
0x2: {  	[smem:$0x3F9C] =	sst lr;
	_ =	strace $0xD0000000  }
0x3: {  	_ = 	snop  }
0x4: {  	_ = 	snop  }
0x5: {  	_ = 	snop  }
0x6: {  	_ = 	snop  }
0x7: {  	_ = 	snop  }
__scs_overlays_trampoline_lowered:
0x8: {  	[smem:$0x3FAB] =	sst s0  }
0x9: {  	[smem:$0x3FAC] =	sst s1  }
0xa: {  	[smem:$0x3FAD] =	sst s2  }
0xb: {  	[smem:$0x3FAE] =	sst s3  }
0xc: {  	[smem:$0x3FAF] =	sst s4  }
0xd: {  	[smem:$0x3FB0] =	sst s5  }
0xe: {  	[smem:$0x3FB1] =	sst s6  }
0xf: {  	[smem:$0x3FB2] =	sst s7  }
0x10: {  	[smem:$0x3FB3] =	sst s8  }
0x11: {  	[smem:$0x3FB4] =	sst s9;
	s0 =	simm.s32 @!p0 $0x0  }
0x12: {  	s1 =	sld [smem:$0x3F9A];
	s0 =	simm.s32 @p0 $0x1  }
0x13: {  	[smem:$0x3FB5] =	sst s0;
	s0 =	simm.s32 @!p1 $0x0  }
0x14: {  	s2 =	sld [smem:$0x3F99];
	s0 =	simm.s32 @p1 $0x1  }
0x15: {  	[smem:$0x3FB6] =	sst s0;
	s0 =	simm.s32 @!p2 $0x0  }
0x16: {  	s3 =	sld [smem:$0x3FDB];
	s0 =	simm.s32 @p2 $0x1  }
0x17: {  	s4 =	simm.s32 $0x1BF5;
	[smem:$0x3FB8] =	sst s0  }
0x18: {  	s0 =	sld [smem:$0x3F9B];
	_ =	swait.ge [sflag:s4], $0x0  }
0x19: {  	s7 =	sld [smem:$0x3F9C]  }
0x1a: {  	s8 =	sadd.s32 $0xFFFFE003, lr  }
0x1b: {  	s9 =	sadd.s32 $0xFFFFFEF7, lr;
	s5 =	simm.s32 $0xFFFFFFFF;
	p2 =	slt.u32 s8, $0xFFFFF086  }
0x1c: {  	p1 =	slt.u32 s9, $0xF7A;
	s5 =	simm.s32 @!p2 $0x0  }
0x1d: {  	s5 =	simm.s32 @p1 $0x1;
	p0 =	seq.s32 s7, s2  }
0x1e: {  	s7 =	smul.u32 @!p0 $0xF7A, s2;
	p2 =	seq.s32 @!p0 s5, $0x0  }
0x1f: {  	s9 =	smul.u32 $0xF7A, s1;
	s8 =	simm.s32 @!p0 $0x1BF5;
	p2 =	por !p2, p0  }
0x20: {  	[sflag:s8] =	ssyncset.s32 @!p0 $0xFFFFF086;
	s6 =	sadd.s32 @!p0 s3, s7;
	s7 =	simm.s32 @!p0 $0x108  }
0x21: {  	s3 =	sadd.s32 s3, s9;
	s6 =	sadd.s32 @!p0 $0x88, s6;
	s7 =	simm.s32 @p2 $0x1082  }
0x22: {  	[simem:s7], [sflag:s8] =	dma.local @!p0 [hbm:s6], $0xF7A  }
0x23: {  	s9 =	sor.u32 $0xD0000000, s2;
	s6 =	simm.s32 $0x108;
	_ =	swait.ge @!p0 [sflag:s8], $0x0  }
0x24: {  	s3 =	sadd.s32 $0x88, s3;
	s6 =	simm.s32 @!p1 $0x1082;
	[sflag:s4] =	ssyncset.s32 $0xFFFFF086  }
0x25: {  	[simem:s6], [sflag:s4] =	dma.local [hbm:s3], $0xF7A  }
0x26: {  	[smem:$0x3F9C] =	sst s1;
	(tag) =	ssettag s2;
	_ =	strace s9  }
0x27: {  	s1 =	sld [smem:$0x3FAC]  }
0x28: {  	s2 =	sld [smem:$0x3FAD]  }
0x29: {  	s4 =	sld [smem:$0x3FAF]  }
0x2a: {  	p0 =	seq.s32 s5, $0x0;
	s5 =	sld [smem:$0x3FB0]  }
0x2b: {  	s6 =	sld [smem:$0x3FB1]  }
0x2c: {  	s7 =	sld [smem:$0x3FB2]  }
0x2d: {  	s3 =	simm.s32 $0x108;
	s8 =	sld [smem:$0x3FB3]  }
0x2e: {  	s3 =	simm.s32 @!p0 $0x1082;
	s9 =	sld [smem:$0x3FB4]  }
0x2f: {  	lr =	sadd.s32 s0, s3;
	s0 =	sld [smem:$0x3FAB]  }
0x30: {  	s3 =	sld [smem:$0x3FAE]  }
0x31: {  	[smem:$0x3FB7] =	sst s10  }
0x32: {  	s10 =	sld [smem:$0x3FB5];
	_ =	sdelay $0x3  }
0x33: {  	p0 =	seq.s32 s10, $0x1;
	s10 =	sld [smem:$0x3FB7];
	_ =	sdelay $0x3  }
0x34: {  	[smem:$0x3FB7] =	sst s10  }
0x35: {  	s10 =	sld [smem:$0x3FB6];
	_ =	sdelay $0x3  }
0x36: {  	p1 =	seq.s32 s10, $0x1;
	s10 =	sld [smem:$0x3FB7];
	_ =	sdelay $0x3  }
0x37: {  	[smem:$0x3FB7] =	sst s10  }
0x38: {  	s10 =	sld [smem:$0x3FB8]  }
0x39: {  	_ = 	snop;
	(pc) =	sbr.ind lr, $3  }
0x3a: {  	_ = 	snop  }
0x3b: {  	_ = 	snop  }
0x3c: {  	p2 =	seq.s32 s10, $0x1;
	s10 =	sld [smem:$0x3FB7]  }
0x3d: {  	_ =	shalt  }
0x3e: {  	_ =	shalt  }
0x3f: {  	_ =	shalt  }
0x40: {  	_ =	shalt  }
0x41: {  	_ =	shalt  }
0x42: {  	_ =	shalt  }
0x43: {  	_ =	shalt  }
0x44: {  	_ =	shalt  }
0x45: {  	_ =	shalt  }
0x46: {  	_ =	shalt  }
0x47: {  	_ =	shalt  }
0x48: {  	_ =	shalt  }
0x49: {  	_ =	shalt  }
0x4a: {  	_ =	shalt  }
0x4b: {  	_ =	shalt  }
0x4c: {  	_ =	shalt  }
0x4d: {  	_ =	shalt  }
0x4e: {  	_ =	shalt  }
0x4f: {  	_ =	shalt  }
0x50: {  	_ =	shalt  }
0x51: {  	_ =	shalt  }
0x52: {  	_ =	shalt  }
0x53: {  	_ =	shalt  }
0x54: {  	_ =	shalt  }
0x55: {  	_ =	shalt  }
0x56: {  	_ =	shalt  }
0x57: {  	_ =	shalt  }
0x58: {  	_ =	shalt  }
0x59: {  	_ =	shalt  }
0x5a: {  	_ =	shalt  }
0x5b: {  	_ =	shalt  }
0x5c: {  	_ =	shalt  }
0x5d: {  	_ =	shalt  }
0x5e: {  	_ =	shalt  }
0x5f: {  	_ =	shalt  }
0x60: {  	_ =	shalt  }
0x61: {  	_ =	shalt  }
0x62: {  	_ =	shalt  }
0x63: {  	_ =	shalt  }
0x64: {  	_ =	shalt  }
0x65: {  	_ =	shalt  }
0x66: {  	_ =	shalt  }
0x67: {  	_ =	shalt  }
0x68: {  	_ =	shalt  }
0x69: {  	_ =	shalt  }
0x6a: {  	_ =	shalt  }
0x6b: {  	_ =	shalt  }
0x6c: {  	_ =	shalt  }
0x6d: {  	_ =	shalt  }
0x6e: {  	_ =	shalt  }
0x6f: {  	_ =	shalt  }
0x70: {  	_ =	shalt  }
0x71: {  	_ =	shalt  }
0x72: {  	_ =	shalt  }
0x73: {  	_ =	shalt  }
0x74: {  	_ =	shalt  }
0x75: {  	_ =	shalt  }
0x76: {  	_ =	shalt  }
0x77: {  	_ =	shalt  }
0x78: {  	_ =	shalt  }
0x79: {  	_ =	shalt  }
0x7a: {  	_ =	shalt  }
0x7b: {  	_ =	shalt  }
0x7c: {  	_ =	shalt  }
0x7d: {  	_ =	shalt  }
0x7e: {  	_ =	shalt  }
0x7f: {  	_ =	shalt  }
0x80: {  	_ =	shalt  }
0x81: {  	_ =	shalt  }
0x82: {  	_ =	shalt  }
0x83: {  	_ =	shalt  }
0x84: {  	_ =	shalt  }
0x85: {  	_ =	shalt  }
0x86: {  	_ =	shalt  }
0x87: {  	_ =	shalt  }
.Lfunc_end0:
.L_simem_size_0:
called_computation_lowered:
.L_overlay_start_0:
0x88: {  	s2 =	sld [smem:$0x3FD9]  }
0x89: {  	s3 =	sld [smem:$0x3FFE];
	_ =	sdelay $0x1  }
0x8a: {  	s1 =	srdreg.scid  }
0x8b: {  	s0 =	sand.u32 $0x1, s1  }
0x8c: {  	s17 =	sshll.u32 s0, $0xA;
	s2 =	sadd.s32 s3, s2  }
0x8d: {  	s2 =	sadd.s32 s2, s17  }
0x8e: {  	[smem:$0x3FC3] =	sst s2  }
0x8f: {  	_ = 	snop  }
0x90: {  	s2 =	sld [smem:$0x3FD0];
	(tm) =	ssettm $0x1  }
0x91: {  	s18 =	sld [smem:$0x3FFB];
	_ =	sdelay $0x3  }
0x92: {  	_ =	strace s18  }
0x93: {  	s3 =	sld [smem:$0x3FFC];
	_ =	sdelay $0x3  }
0x94: {  	_ =	strace s3  }
0x95: {  	s3 =	sld [smem:$0x3FFD];
	_ =	sdelay $0x3  }
0x96: {  	_ =	strace s3  }
0x97: {  	_ =	strace $0x8FFFFFFF  }
0x98: {  	s19 =	sld [smem:$0x3FDB];
	_ =	sdelay $0x1  }
0x99: {  	s4 =	simm.s32 $_scs_section_size  }
0x9a: {  	s5 =	simm.s32 $_size__tile_overlayer_lowered;
	s6 =	simm.s32 $_tile_overlayer_lowered  }
0x9b: {  	s22 =	simm.s32 $0x1BFF;
	s21 =	sshll.u32 s6, $0x1;
	s3 =	sadd.s32 s4, s19  }
0x9c: {  	s7 =	simm.s32 $0x0;
	s20 =	sshll.u32 s5, $0x1;
	s5 =	sadd.s32 s21, s3  }
0x9d: {  	[timem:s7], [sflag:s22] =	dma.local [hbm:s5], s20  }
0x9e: {  	_ =	swait.ge [sflag:s22], s20  }
0x9f: {  	s4 =	ssub.s32 $0x0, s20;
	[sflag:s22] =	ssyncset.done $0x0  }
0xa0: {  	[sflag:s22] =	ssyncadd.s32 s4;
	_ =	sdelay $0x1  }
0xa1: {  	s23 =	simm.s32 $0x1B8B  }
0xa2: {  	_ =	swait.ge [sflag:s23], $0x1  }
0xa3: {  	[sflag:s23] =	ssyncset.done $0x0  }
0xa4: {  	s25 =	simm.s32 $0x1B8E;
	s24 =	sld [smem:$0x3FFE];
	[sflag:s23] =	ssyncadd.s32 $0xFFFFFFFF  }
0xa5: {  	s26 =	simm.s32 $execute0_lowered;
	[smem:$0x3FD2] =	sst s25  }
0xa6: {  	s5 =	sshll.u32 s26, $0x1;
	_ =	strace $0x80000046;
	[dreg:$0x1] =	wrdreg $0xFFFFFFFF  }
0xa7: {  	s28 =	simm.s32 $_size_execute0_lowered;
	s3 =	sadd.s32 s3, s5;
	[dreg:$0x0] =	wrdreg $0x0  }
0xa8: {  	s5 =	sshll.u32 s28, $0x1;
	[dreg:$0x2] =	wrdreg s3  }
0xa9: {  	[dreg:$0x3] =	wrdreg s5  }
0xaa: {  	[dreg:$0x4] =	wrdreg $0xC0  }
0xab: {  	_ =	task [dreg:s7], $0x5FFFF  }
0xac: {  	[dreg:$0x1] =	wrdreg $0xFFFFFFFF  }
0xad: {  	[dreg:$0x0] =	wrdreg $0x60  }
0xae: {  	[dreg:$0x2] =	wrdreg s2  }
0xaf: {  	[dreg:$0x3] =	wrdreg s24  }
0xb0: {  	[dreg:$0x4] =	wrdreg $0x9  }
0xb1: {  	_ =	task.clear_ibuf [dreg:s7], $0x5FFFF;
	_ =	strace $0x90000046  }
0xb2: {  	s29 =	simm.s32 $0x9;
	_ =	strace $0x80000048  }
0xb3: {  	_ =	swait.ge [sflag:s29], $0x1  }
0xb4: {  	[sflag:s29] =	ssyncadd.s32 $0xFFFFFFFF  }
0xb5: {  	_ =	strace $0x90000048  }
0xb6: {  	_ =	sfence  }
0xb7: {  	s30 =	sld [smem:$0x0];
	_ =	sdelay $0x2  }
0xb8: {  	s31 =	sshll.u32 s1, $0xD;
	s1 =	sshrl.u32 s1, $0x2  }
0xb9: {  	s3 =	sand.u32 $0x4000, s31;
	s1 =	sadd.s32 s1, s30  }
0xba: {  	s0 =	sor.u32 s3, s0;
	s1 =	sshll.u32 s1, $0x11  }
0xbb: {  	s0 =	sor.u32 s1, s0  }
0xbc: {  	s0 =	sadd.s32 $0x8F2B, s0  }
0xbd: {  	[sflag:s0] =	ssyncadd.remote.s32 $0x1  }
0xbe: {  	_ =	sfence.sel $0xFFFF  }
0xbf: {  	[dreg:$0x0] =	wrdreg $0xFFFFFFFF;
	(pc) =	sbr.abs _section_cstart, $3  }
0xc0: {  	[dreg:$0x1] =	wrdreg $0xFFFFFFFF  }
0xc1: {  	_ =	task.clear_ibuf [dreg:s7], $0x2FFFF;
	_ =	strace $0x9FFFFFFF  }
0xc2: {  	(tm) =	ssettm $0x7FFFFFFF  }
0xc3: {  	_ =	shalt  }
tec
execute0_lowered:
.L_overlay_start_1:
0x0: {  	(tag) =	ssettag $0x1  }
0x1: {  	s1 =	stileid.u32  }
0x2: {  	p0 =	sgt.u32 s1, $0x3  }
.Ltmp0:
0x3: {  	_ = 	snop;
	(pc) =	sbr.rel @p0 .LBB2_4-.Ltmp0, $4  }
0x4: {  	s3 =	rddreg [dreg:$0x0]  }
0x5: {  	s4 =	rddreg [dreg:$0x1];
	s2 =	simm.s32 $0x0  }
0x6: {  	[smem:$0x7FF] =	sst s2  }
0x7: {  	s0 =	rddreg [dreg:$0x2];
	_ =	strace $0x80000047  }
0x8: {  	s5 =	srdreg.scid  }
0x9: {  	s5 =	sand.u32 $0x1, s5  }
0xa: {  	s6 =	sshll.u32 s1, $0x5;
	v0 =	vlaneseq.u32;
	s7 =	sshll.u32 s5, $0x4  }
0xb: {  	v7 =	vmul.u32 $0x8, v0;
	s7 =	sor.u32 s7, s6  }
0xc: {  	s6 =	sadd.s32 s3, s7;
	s3 =	simm.s32 $0x1  }
0xd: {  	v6 =	vor.u32 $0x1, v7;
	[tilespmem:s2], [sflag:$0x1] =	stream.linear.gather [hbm4b:s6+s2], $0x80, $0x38;
	[tilespmem:$0x100] =	vst v63  }
0xe: {  	v5 =	vor.u32 $0x2, v7;
	_ =	swait.ge [sflag:s3], $0x80  }
0xf: {  	v4 =	vor.u32 $0x3, v7;
	[sflag:s3] =	ssyncset.done $0x0  }
0x10: {  	v2 =	vor.u32 $0x4, v7;
	[sflag:s3] =	ssyncadd.s32 $0xFFFFFF80  }
0x11: {  	v0 =	vor.u32 $0x5, v7;
	v13 =	vld.idx.msk [tilespmem:v7+s2+$0x0], $0xffff  }
0x12: {  	v1 =	vor.u32 $0x6, v7;
	v14 =	vld.idx.msk [tilespmem:v6+s2+$0x0], $0xffff  }
0x13: {  	v3 =	vor.u32 $0x7, v7;
	v11 =	vld.idx.msk [tilespmem:v5+s2+$0x0], $0xffff  }
0x14: {  	s5 =	ssub.s32 $0x2, s5;
	v15 =	vld.idx.msk [tilespmem:v4+s2+$0x0], $0xffff  }
0x15: {  	s8 =	sshrl.u32 s5, $0x1;
	v16 =	vld.idx.msk [tilespmem:v2+s2+$0x0], $0xffff  }
0x16: {  	s5 =	ssub.s32 s5, s8;
	v10 =	vld.idx.msk [tilespmem:v0+s2+$0x0], $0xffff  }
0x17: {  	s8 =	smax.u32 s5, $0x1;
	v8 =	vld.idx.msk [tilespmem:v1+s2+$0x0], $0xffff;
	v12 =	vmax.f32 v13, v14  }
0x18: {  	p0 =	sne.s32 s8, $0x1;
	v9 =	vld.idx.msk [tilespmem:v3+s2+$0x0], $0xffff;
	v12 =	vmax.f32 v12, v11  }
.Ltmp1:
0x19: {  	v12 =	vmax.f32 v12, v15;
	(pc) =	sbr.rel @!p0 .LBB2_3-.Ltmp1, $4  }
0x1a: {  	v12 =	vmax.f32 v12, v16  }
0x1b: {  	v12 =	vmax.f32 v12, v10  }
0x1c: {  	s4 =	sadd.s32 s7, s4;
	v12 =	vmax.f32 v12, v8  }
0x1d: {  	s4 =	sadd.s32 $0x600, s4;
	s5 =	simm.s32 $0x80;
	s7 =	sadd.s32 $0xFFFFFFFF, s8;
	v12 =	vmax.f32 v12, v9  }
.LBB2_2:
0x1e: {  	vm2 =	veq.f32 v13, v12;
	vm0 =	vne.f32 v13, v12  }
0x1f: {  	vm1 =	veq.f32 v14, v12;
	v17 =	vimm.s32 $0x0;
	vm4 =	veq.f32 v11, v12  }
0x20: {  	vm6 =	veq.f32 v10, v12;
	vm7 =	veq.f32 v15, v12;
	vm8 =	veq.f32 v16, v12  }
0x21: {  	vm10 =	veq.f32 v8, v12;
	vm11 =	vne.f32 v9, v12;
	vm3 =	vmor vm2, vm1  }
0x22: {  	v17 =	vsel vm2, $0xFFFFFFFF, v17;
	v13 =	vsel vm2, $0xF149F2CA, v13;
	vm5 =	vmneg vm3  }
0x23: {  	[tilespmem:$0x1FFC0] =	vst v17;
	vm3 =	vmor vm4, vm3;
	v17 =	vimm.s32 $0x0;
	vm9 =	vmand vm4, vm5  }
0x24: {  	vm12 =	vmor vm7, vm3;
	vm13 =	vmneg vm3;
	v17 =	vsel vm9, $0xFFFFFFFF, v17  }
0x25: {  	vm4 =	vmand vm1, vm0;
	vm0 =	vmand vm7, vm13;
	[tilespmem:$0x1FFD0] =	vst v17;
	v17 =	vimm.s32 $0x0  }
0x26: {  	vm14 =	vmneg vm12;
	v14 =	vsel vm4, $0xF149F2CA, v14;
	v17 =	vsel vm0, $0xFFFFFFFF, v17  }
0x27: {  	vm15 =	vmor vm8, vm12;
	vm1 =	vmand vm8, vm14;
	[tilespmem:$0x1FFE0] =	vst v17;
	v17 =	vimm.s32 $0x0  }
0x28: {  	v11 =	vsel vm9, $0xF149F2CA, v11;
	v15 =	vsel vm0, $0xF149F2CA, v15;
	v17 =	vsel vm1, $0xFFFFFFFF, v17  }
0x29: {  	vm5 =	vmneg vm15;
	v16 =	vsel vm1, $0xF149F2CA, v16;
	[tilespmem:$0x1FFF0] =	vst v17;
	v17 =	vmax.f32 v13, v14  }
0x2a: {  	vm5 =	vmand vm6, vm5;
	vm0 =	vmor vm6, vm15;
	v17 =	vmax.f32 v17, v11  }
0x2b: {  	vm6 =	vmneg vm0;
	v10 =	vsel vm5, $0xF149F2CA, v10;
	v17 =	vmax.f32 v17, v15  }
0x2c: {  	vm6 =	vmand vm10, vm6;
	vm1 =	vmor vm10, vm11;
	v17 =	vmax.f32 v17, v16  }
0x2d: {  	vm7 =	vmor vm1, vm0;
	v8 =	vsel vm6, $0xF149F2CA, v8;
	v17 =	vmax.f32 v17, v10  }
0x2e: {  	v9 =	vnsel vm7, $0xF149F2CA, v9;
	v17 =	vmax.f32 v17, v8  }
0x2f: {  	v17 =	vmax.f32 v17, v9  }
0x30: {  	v12 =	vsub.f32 v17, v12;
	_ =	sdelay $0x1  }
0x31: {  	vm1 =	veq.f32 v11, v17;
	v11 =	vmul.f32 $1.442695020e+00, v12;
	_ =	sdelay $0x1  }
0x32: {  	(erf) = vpow2.f32 v11;
	_ =	sdelay $0x8  }
0x33: {  	vm12 =	veq.f32 v8, v17;
	v8 =	vpop (erf)  }
0x34: {  	v8 =	vadd.f32 $1.000000000e+00, v8;
	_ =	sdelay $0x1  }
0x35: {  	(erf) = vrcp.f32 v8;
	_ =	sdelay $0x3  }
0x36: {  	vm8 =	veq.f32 v13, v17  }
0x37: {  	vm14 =	veq.f32 v15, v17;
	vm9 =	veq.f32 v14, v17;
	vm2 =	veq.f32 v16, v17  }
0x38: {  	vm11 =	vne.f32 v13, v17;
	vm15 =	veq.f32 v10, v17;
	vm10 =	vmor vm8, vm9  }
0x39: {  	v13 =	vld [tilespmem:$0x1FFC0];
	vm9 =	vmand vm9, vm11;
	vm13 =	vmneg vm10;
	vm10 =	vmor vm1, vm10  }
0x3a: {  	vm0 =	vmor vm14, vm10;
	vm13 =	vmand vm1, vm13;
	vm10 =	vmneg vm10  }
0x3b: {  	vm1 =	vmneg vm0;
	vm3 =	vmor vm2, vm0;
	vm0 =	vne.f32 v9, v17;
	v8 =	vpop (erf)  }
0x3c: {  	vm2 =	vmand vm2, vm1;
	vm1 =	vmor vm15, vm3;
	v9 =	vsub.f32 $1.000000000e+00, v8  }
0x3d: {  	vm14 =	vmand vm14, vm10;
	vm0 =	vmor vm12, vm0;
	vm10 =	vmneg vm1  }
0x3e: {  	vm10 =	vmand vm12, vm10;
	vm12 =	vnez.u8 v13;
	v10 =	vnsel vm8, $0x0, v9  }
0x3f: {  	v11 =	vnsel vm9, $0x0, v9;
	v10 =	vsel vm12, v8, v10  }
0x40: {  	v11 =	vsel vm4, v8, v11;
	[tilespmem:v7+s5+$0x0] =	vst.idx.msk $0xffff, v10  }
0x41: {  	[tilespmem:v6+s5+$0x0] =	vst.idx.msk $0xffff, v11;
	v11 =	vld [tilespmem:$0x1FFE0];
	_ =	sdelay $0x2  }
0x42: {  	v13 =	vld [tilespmem:$0x1FFD0];
	_ =	sdelay $0x1  }
0x43: {  	v10 =	vnsel vm14, $0x0, v9;
	vm14 =	vnez.u8 v11;
	v11 =	vld [tilespmem:$0x1FFF0];
	_ =	sdelay $0x2  }
0x44: {  	vm3 =	vmneg vm3;
	v12 =	vnsel vm13, $0x0, v9;
	vm13 =	vnez.u8 v13  }
0x45: {  	vm3 =	vmand vm15, vm3;
	v12 =	vsel vm13, v8, v12  }
0x46: {  	v13 =	vnsel vm2, $0x0, v9;
	[tilespmem:v5+s5+$0x0] =	vst.idx.msk $0xffff, v12;
	v10 =	vsel vm14, v8, v10;
	vm15 =	vnez.u8 v11  }
0x47: {  	v14 =	vnsel vm3, $0x0, v9;
	[tilespmem:v4+s5+$0x0] =	vst.idx.msk $0xffff, v10;
	v11 =	vsel vm15, v8, v13  }
0x48: {  	vm0 =	vmor vm0, vm1;
	v12 =	vsel vm5, v8, v14;
	v13 =	vnsel vm10, $0x0, v9;
	[tilespmem:v2+s5+$0x0] =	vst.idx.msk $0xffff, v11  }
0x49: {  	v9 =	vsel vm0, $0x0, v9;
	v13 =	vsel vm6, v8, v13;
	[tilespmem:v0+s5+$0x0] =	vst.idx.msk $0xffff, v12  }
0x4a: {  	v8 =	vsel vm7, v9, v8;
	[tilespmem:v1+s5+$0x0] =	vst.idx.msk $0xffff, v13  }
0x4b: {  	[tilespmem:v3+s5+$0x0] =	vst.idx.msk $0xffff, v8  }
0x4c: {  	[hbm4b:s4+s2] =	stream.linear.scatter [tilespmem:s5], [sflag:$0x1], $0x80, $0x38;
	[tilespmem:$0x100] =	vst v63  }
0x4d: {  	_ =	swait.ge [sflag:s3], $0x80  }
0x4e: {  	[sflag:s3] =	ssyncset.done $0x0  }
0x4f: {  	[sflag:s3] =	ssyncadd.s32 $0xFFFFFF80  }
0x50: {  	[tilespmem:s2], [sflag:$0x1] =	stream.linear.gather [hbm4b:s6+s2], $0x80, $0x38;
	[tilespmem:$0x100] =	vst v63  }
0x51: {  	_ =	swait.ge [sflag:s3], $0x80  }
0x52: {  	[sflag:s3] =	ssyncset.done $0x0  }
0x53: {  	[sflag:s3] =	ssyncadd.s32 $0xFFFFFF80  }
0x54: {  	v13 =	vld.idx.msk [tilespmem:v7+s2+$0x0], $0xffff  }
0x55: {  	v14 =	vld.idx.msk [tilespmem:v6+s2+$0x0], $0xffff  }
0x56: {  	v11 =	vld.idx.msk [tilespmem:v5+s2+$0x0], $0xffff  }
0x57: {  	v15 =	vld.idx.msk [tilespmem:v4+s2+$0x0], $0xffff  }
0x58: {  	v16 =	vld.idx.msk [tilespmem:v2+s2+$0x0], $0xffff  }
0x59: {  	v10 =	vld.idx.msk [tilespmem:v0+s2+$0x0], $0xffff  }
0x5a: {  	v8 =	vld.idx.msk [tilespmem:v1+s2+$0x0], $0xffff;
	v12 =	vmax.f32 v13, v14  }
0x5b: {  	p0 =	sne.s32 s7, $0x1;
	v9 =	vld.idx.msk [tilespmem:v3+s2+$0x0], $0xffff;
	v12 =	vmax.f32 v12, v11  }
.Ltmp2:
0x5c: {  	v12 =	vmax.f32 v12, v15;
	(pc) =	sbr.rel @p0 .LBB2_2-.Ltmp2, $4  }
0x5d: {  	v12 =	vmax.f32 v12, v16  }
0x5e: {  	v12 =	vmax.f32 v12, v10  }
0x5f: {  	v12 =	vmax.f32 v12, v8  }
0x60: {  	s7 =	sadd.s32 $0xFFFFFFFF, s7;
	v12 =	vmax.f32 v12, v9  }
.LBB2_3:
0x61: {  	vm0 =	veq.f32 v13, v12;
	vm1 =	vne.f32 v13, v12;
	vm2 =	veq.f32 v14, v12  }
0x62: {  	vm4 =	veq.f32 v11, v12;
	vm6 =	veq.f32 v10, v12;
	vm8 =	veq.f32 v15, v12  }
0x63: {  	vm9 =	veq.f32 v16, v12;
	vm14 =	veq.f32 v8, v12;
	vm3 =	vmor vm0, vm2  }
0x64: {  	v42 =	vsel vm0, $0xF149F2CA, v13;
	vm5 =	vmneg vm3;
	vm7 =	vmor vm4, vm3  }
0x65: {  	vm3 =	vmand vm4, vm5;
	vm15 =	vmor vm8, vm7;
	vm11 =	vmneg vm7  }
0x66: {  	vm5 =	vmand vm2, vm1;
	vm12 =	vmneg vm15;
	vm2 =	vmand vm8, vm11  }
0x67: {  	v41 =	vsel vm5, $0xF149F2CA, v14;
	vm13 =	vmor vm9, vm15;
	vm15 =	vne.f32 v9, v12  }
0x68: {  	v45 =	vsel vm3, $0xF149F2CA, v11;
	vm1 =	vmand vm9, vm12;
	v43 =	vsel vm2, $0xF149F2CA, v15  }
0x69: {  	vm4 =	vmneg vm13;
	v17 =	vmax.f32 v42, v41;
	vm7 =	vmor vm6, vm13  }
0x6a: {  	vm8 =	vmor vm14, vm15;
	v44 =	vsel vm1, $0xF149F2CA, v16;
	v17 =	vmax.f32 v17, v45  }
0x6b: {  	vm4 =	vmand vm6, vm4;
	vm6 =	vmneg vm7;
	v17 =	vmax.f32 v17, v43  }
0x6c: {  	v46 =	vsel vm4, $0xF149F2CA, v10;
	vm6 =	vmand vm14, vm6;
	v17 =	vmax.f32 v17, v44  }
0x6d: {  	vm7 =	vmor vm8, vm7;
	v47 =	vsel vm6, $0xF149F2CA, v8;
	v17 =	vmax.f32 v17, v46  }
0x6e: {  	v48 =	vnsel vm7, $0xF149F2CA, v9;
	v17 =	vmax.f32 v17, v47  }
0x6f: {  	v17 =	vmax.f32 v17, v48  }
0x70: {  	v49 =	vsub.f32 v17, v12;
	_ =	sdelay $0x1  }
0x71: {  	v12 =	vmul.f32 $1.442695020e+00, v49;
	_ =	sdelay $0x1  }
0x72: {  	(erf) = vpow2.f32 v12;
	_ =	sdelay $0x8  }
0x73: {  	v12 =	vpop (erf)  }
0x74: {  	v12 =	vadd.f32 $1.000000000e+00, v12;
	_ =	sdelay $0x1  }
0x75: {  	(erf) = vrcp.f32 v12;
	_ =	sdelay $0x4  }
0x76: {  	vm8 =	veq.f32 v42, v17;
	vm9 =	veq.f32 v41, v17  }
0x77: {  	vm10 =	veq.f32 v45, v17;
	vm12 =	veq.f32 v43, v17;
	vm11 =	vmor vm8, vm9  }
0x78: {  	vm15 =	veq.f32 v44, v17;
	vm13 =	vmor vm10, vm11;
	vm11 =	vmneg vm11  }
0x79: {  	vm14 =	vmor vm12, vm13;
	vm10 =	vmand vm10, vm11;
	vm13 =	vmneg vm13  }
0x7a: {  	vm11 =	vmneg vm14;
	vm14 =	vmor vm15, vm14;
	vm12 =	vmand vm12, vm13;
	v50 =	vpop (erf)  }
0x7b: {  	vm11 =	vmand vm15, vm11;
	vm15 =	vne.f32 v42, v17;
	v51 =	vsub.f32 $1.000000000e+00, v50  }
0x7c: {  	vm13 =	veq.f32 v46, v17;
	vm9 =	vmand vm9, vm15;
	vm15 =	vmneg vm14  }
0x7d: {  	vm14 =	vmor vm13, vm14;
	vm13 =	vmand vm13, vm15;
	v52 =	vnsel vm8, $0x0, v51  }
0x7e: {  	v53 =	vnsel vm9, $0x0, v51;
	v54 =	vnsel vm10, $0x0, v51;
	v10 =	vsel vm0, v50, v52  }
0x7f: {  	v55 =	vnsel vm12, $0x0, v51;
	vm10 =	veq.f32 v47, v17;
	v13 =	vsel vm5, v50, v53;
	[tilespmem:v7+s5+$0x0] =	vst.idx.msk $0xffff, v10  }
0x80: {  	v56 =	vnsel vm11, $0x0, v51;
	vm11 =	vne.f32 v48, v17;
	v14 =	vsel vm3, v50, v54;
	[tilespmem:v6+s5+$0x0] =	vst.idx.msk $0xffff, v13  }
0x81: {  	vm12 =	vmneg vm14;
	v58 =	vnsel vm13, $0x0, v51;
	v57 =	vsel vm2, v50, v55;
	[tilespmem:v5+s5+$0x0] =	vst.idx.msk $0xffff, v14  }
0x82: {  	vm3 =	vmor vm10, vm11;
	vm0 =	vmand vm10, vm12;
	v59 =	vsel vm1, v50, v56;
	[tilespmem:v4+s5+$0x0] =	vst.idx.msk $0xffff, v57  }
0x83: {  	vm15 =	vmor vm3, vm14;
	v60 =	vnsel vm0, $0x0, v51;
	v5 =	vsel vm4, v50, v58;
	[tilespmem:v2+s5+$0x0] =	vst.idx.msk $0xffff, v59  }
0x84: {  	v61 =	vsel vm6, v50, v60;
	v62 =	vsel vm15, $0x0, v51;
	[tilespmem:v0+s5+$0x0] =	vst.idx.msk $0xffff, v5  }
0x85: {  	v63 =	vsel vm7, v62, v50;
	[tilespmem:v1+s5+$0x0] =	vst.idx.msk $0xffff, v61  }
0x86: {  	[tilespmem:v3+s5+$0x0] =	vst.idx.msk $0xffff, v63  }
0x87: {  	[hbm4b:s4+s2] =	stream.linear.scatter [tilespmem:s5], [sflag:$0x1], $0x80, $0x38;
	[tilespmem:$0x100] =	vst v63  }
0x88: {  	_ =	swait.ge [sflag:s3], $0x80  }
0x89: {  	[sflag:s3] =	ssyncset.done $0x0  }
0x8a: {  	[sflag:s3] =	ssyncadd.s32 $0xFFFFFF80  }
.LBB2_4:
0x8b: {  	_ =	sfence.sel $0x180000  }
0x8c: {  	[bflag:$0x0] =	sbarrier.arrive $0xFFFF  }
0x8d: {  	p0 =	sne.s32 s1, $0x0;
	_ =	strace $0x90000047  }
0x8e: {  	s0 =	sadd.s32 @!p0 $0x100000, s0;
	[bflag:$0x2] =	sbarrier.arrive $0xFFFF  }
0x8f: {  	[sflag:s0] =	ssyncadd.tile.s32 @!p0 $0x1;
	_ =	shalt  }
.Lfunc_end2:
_tile_overlayer_lowered:
.L_overlay_start_2:
0x90: {  	(tag) =	ssettag $0x2  }
0x91: {  	s0 =	rddreg [dreg:$0x0];
	s2 =	stileid.u32  }
0x92: {  	s1 =	rddreg [dreg:$0x1];
	p0 =	sne.s32 s2, $0x0  }
0x93: {  	s3 =	rddreg [dreg:$0x2];
	[bflag:$0x3] =	sbarrier.arrive $0xFFFF;
	s2 =	simm.s32 @!p0 $0x1C01  }
0x94: {  	[timem:s3], [sflag:s2] =	dma.local @!p0 [hbm:s0], s1  }
0x95: {  	s0 =	simm.s32 @!p0 $0x1  }
0x96: {  	_ =	swait.ge @!p0 [sflag:s0], s1  }
0x97: {  	s1 =	ssub.s32 @!p0 $0x0, s1;
	[sflag:s0] =	ssyncset.done @!p0 $0x0  }
0x98: {  	[sflag:s0] =	ssyncadd.s32 @!p0 s1  }
0x99: {  	[bflag:$0x3] =	sbarrier.arrive $0xFFFF  }
0x9a: {  	_ =	shalt  }

</sc_bundles>
